<compile_context>
chip_gen: v7x
topology: tpu7x:2x2x1
jax: 0.10.2.dev20260603
libtpu: 0.0.44.dev20260713+nightly
codegen_flags: <defaults>
</compile_context>

<pallas_src>
import functools

import jax
import jax.numpy as jnp
from jax import lax
from jax.experimental import pallas as pl
from jax.experimental.pallas import tpu as pltpu
from jax.experimental.pallas import tpu_sc as plsc

VOCAB = 100000
D_MODEL = 1024
BATCH = 4
SEQ = 8192

N_TOK = BATCH * SEQ
NC, NS = 2, 16
NW = NC * NS
TOK_PER_W = N_TOK // NW
K = 32
NCHUNK = TOK_PER_W // K
NBUF = 2


def _sc_embed(tokens, wte):
    mesh = plsc.VectorSubcoreMesh(core_axis_name="c", subcore_axis_name="s")

    @functools.partial(
        pl.kernel,
        out_type=jax.ShapeDtypeStruct((N_TOK, D_MODEL), jnp.float32),
        mesh=mesh,
        scratch_types=[
            pltpu.VMEM((TOK_PER_W,), jnp.int32),
            pltpu.VMEM((NBUF, K, D_MODEL), jnp.float32),
        ] + [pltpu.SemaphoreType.DMA] * (2 * NBUF),
    )
    def body(tok_hbm, wte_hbm, out_hbm, idx_v, rows_v, *sems):
        gsem = sems[:NBUF]
        osem = sems[NBUF:]
        wid = lax.axis_index("s") * NC + lax.axis_index("c")
        base = wid * TOK_PER_W

        row = wid // (SEQ // TOK_PER_W)
        col = (wid % (SEQ // TOK_PER_W)) * TOK_PER_W
        pltpu.sync_copy(tok_hbm.at[row].at[pl.ds(col, TOK_PER_W)], idx_v)

        def fire_gather(g, b):
            pltpu.async_copy(wte_hbm.at[idx_v.at[pl.ds(g * K, K)]], rows_v.at[b], gsem[b])

        def wait_gather(g, b):
            pltpu.make_async_copy(
                wte_hbm.at[idx_v.at[pl.ds(g * K, K)]], rows_v.at[b],
                gsem[b]).wait()

        def fire_out(g, b):
            pltpu.async_copy(
                rows_v.at[b], out_hbm.at[pl.ds(base + g * K, K)], osem[b])

        def wait_out(g, b):
            pltpu.make_async_copy(
                rows_v.at[b], out_hbm.at[pl.ds(base + g * K, K)], osem[b]).wait()

        for b in range(NBUF):
            fire_gather(b, b)

        def step(c0, _):
            for b in range(NBUF):
                g = c0 + b
                wait_gather(g, b)
                fire_out(g, b)
                wait_out(g, b)
                fire_gather(g + NBUF, b)
            return ()

        n_steps = (NCHUNK - NBUF) // NBUF
        lax.fori_loop(0, n_steps, lambda i, c: step(i * NBUF, c),
                      (), unroll=1)

        main_done = n_steps * NBUF
        pending = []
        for g in range(main_done, NCHUNK):
            b = g % NBUF
            wait_gather(g, b)
            fire_out(g, b)
            if g + NBUF < NCHUNK:
                wait_out(g, b)
                fire_gather(g + NBUF, b)
            else:
                pending.append((g, b))
        for g, b in pending:
            wait_out(g, b)

    return body(tokens, wte)


def kernel(tokens, wte):
    out = _sc_embed(tokens.astype(jnp.int32), wte)
    return out.reshape(BATCH, SEQ, D_MODEL)

# --- scband reference (transcript-rebuilt; emitter-appended) ---
"""Pipeline reference for scband-gptvocab-embedding-43198781063587 (READ-ONLY COPY).

The authoritative reference and input builder live on the scoring server;
editing this copy changes nothing except your own understanding.
"""

import jax, jax.numpy as jnp
import numpy as np

VOCAB = 100000
D_MODEL = 1024
BATCH = 4
SEQ = 8192

def setup_inputs(seed: int = 0) -> dict:
    key = jax.random.key(seed)
    k_tok, k_wte = jax.random.split(key)
    tokens = jax.random.randint(k_tok, (BATCH, SEQ), 0, VOCAB, dtype=jnp.int64 if jax.config.read('jax_enable_x64') else jnp.int32)
    wte = jax.random.normal(k_wte, (VOCAB, D_MODEL), dtype=jnp.float32) * 0.02
    return {"tokens": tokens, "wte": wte}

def reference(tokens, wte):
    # nn.Embedding forward: gather rows of the table by token id
    return jnp.take(wte, tokens, axis=0)

if __name__ == "__main__":
    import jax
    _d = setup_inputs()
    print(jax.jit(kernel)(*tuple(_d.values())))

</pallas_src>

<mosaic_0001>
#map = affine_map<(d0, d1) -> (0, 0)>
module attributes {stable_mosaic.version = 14 : i64} {
  func.func @body(%arg0: i32, %arg1: i32, %arg2: memref<4x8192xi32, #tpu.memory_space<hbm>>, %arg3: memref<100000x1024xf32, #tpu.memory_space<hbm>>, %arg4: memref<32768x1024xf32, #tpu.memory_space<hbm>>, %arg5: memref<1024xi32, #tpu.memory_space<vmem>>, %arg6: memref<2x32x1024xf32, #tpu.memory_space<vmem>>, %arg7: memref<!tpu.dma_semaphore, #tpu.memory_space<semaphore_mem>>, %arg8: memref<!tpu.dma_semaphore, #tpu.memory_space<semaphore_mem>>, %arg9: memref<!tpu.dma_semaphore, #tpu.memory_space<semaphore_mem>>, %arg10: memref<!tpu.dma_semaphore, #tpu.memory_space<semaphore_mem>>) attributes {dimension_semantics = [#tpu.dimension_semantics<core_parallel>, #tpu.dimension_semantics<subcore_parallel>], iteration_bounds = array<i64: 2, 16>, scalar_prefetch = 0 : i64, scratch_operands = 6 : i64, tpu.core_type = #tpu.core_type<sc_vector_subcore>, window_params = [{transform_indices = #map}, {transform_indices = #map}, {transform_indices = #map}]} {
    %mul3A = arith.constant 2 : i32
    %mul3A_0 = arith.muli %arg1, %mul3A : i32
    %add3A = arith.addi %mul3A_0, %arg0 : i32
    %mul3A_1 = arith.constant 1024 : i32
    %mul3A_2 = arith.muli %add3A, %mul3A_1 : i32
    %jit3A = arith.constant 8 : i32
    %div3A = arith.divsi %add3A, %jit3A : i32
    %sign3A = arith.constant 0 : i32
    %sign3A_3 = arith.cmpi sgt, %add3A, %sign3A : i32
    %sign3A_4 = arith.extui %sign3A_3 : i1 to i32
    %sign3A_5 = arith.constant 0 : i32
    %sign3A_6 = arith.cmpi slt, %add3A, %sign3A_5 : i32
    %sign3A_7 = arith.extui %sign3A_6 : i1 to i32
    %sign3A_8 = arith.subi %sign3A_4, %sign3A_7 : i32
    %sign3A_9 = arith.constant 0 : i32
    %sign3A_10 = arith.cmpi sgt, %jit3A, %sign3A_9 : i32
    %sign3A_11 = arith.extui %sign3A_10 : i1 to i32
    %sign3A_12 = arith.constant 0 : i32
    %sign3A_13 = arith.cmpi slt, %jit3A, %sign3A_12 : i32
    %sign3A_14 = arith.extui %sign3A_13 : i1 to i32
    %sign3A_15 = arith.subi %sign3A_11, %sign3A_14 : i32
    %ne3A = arith.cmpi ne, %sign3A_8, %sign3A_15 : i32
    %rem3A = arith.remsi %add3A, %jit3A : i32
    %ne3A_16 = arith.constant 0 : i32
    %ne3A_17 = arith.cmpi ne, %rem3A, %ne3A_16 : i32
    %and3A = arith.andi %ne3A, %ne3A_17 : i1
    %sub3A = arith.constant 1 : i32
    %sub3A_18 = arith.subi %div3A, %sub3A : i32
    %select_n3A = arith.select %and3A, %sub3A_18, %div3A : i32
    %jit3A_19 = arith.constant 8 : i32
    %eq3A = arith.constant 0 : i32
    %eq3A_20 = arith.cmpi eq, %jit3A_19, %eq3A : i32
    %jit3A_21 = arith.constant 1 : i32
    %select_n3A_22 = arith.select %eq3A_20, %jit3A_21, %jit3A_19 : i32
    %rem3A_23 = arith.remsi %add3A, %select_n3A_22 : i32
    %ne3A_24 = arith.constant 0 : i32
    %ne3A_25 = arith.cmpi ne, %rem3A_23, %ne3A_24 : i32
    %lt3A = arith.constant 0 : i32
    %lt3A_26 = arith.cmpi slt, %rem3A_23, %lt3A : i32
    %lt3A_27 = arith.constant 0 : i32
    %lt3A_28 = arith.cmpi slt, %select_n3A_22, %lt3A_27 : i32
    %ne3A_29 = arith.xori %lt3A_26, %lt3A_28 : i1
    %and3A_30 = arith.andi %ne3A_29, %ne3A_25 : i1
    %add3A_31 = arith.addi %rem3A_23, %select_n3A_22 : i32
    %select_n3A_32 = arith.select %and3A_30, %add3A_31, %rem3A_23 : i32
    %mul3A_33 = arith.constant 1024 : i32
    %mul3A_34 = arith.muli %select_n3A_32, %mul3A_33 : i32
    "tpu.region"() ({
      %run_scoped3A = tpu.sem_alloc : memref<!tpu.dma_semaphore, #tpu.memory_space<semaphore_mem>>
      %dma_start3A_137 = arith.constant 0 : i32
      %dma_start3A_138 = tpu.memref_slice %arg2[%select_n3A, %dma_start3A_137] : memref<4x8192xi32, #tpu.memory_space<hbm>> -> memref<1x8192xi32, #tpu.memory_space<hbm>>
      %dma_start3A_139 = tpu.memref_squeeze %dma_start3A_138 : memref<1x8192xi32, #tpu.memory_space<hbm>> -> memref<8192xi32, #tpu.memory_space<hbm>>
      %dma_start3A_140 = tpu.memref_slice %dma_start3A_139[%mul3A_34] : memref<8192xi32, #tpu.memory_space<hbm>> -> memref<1024xi32, #tpu.memory_space<hbm>>
      %dma_start3A_141 = arith.constant 0 : i32
      %dma_start3A_142 = tpu.memref_slice %arg2[%select_n3A, %dma_start3A_141] : memref<4x8192xi32, #tpu.memory_space<hbm>> -> memref<1x8192xi32, #tpu.memory_space<hbm>>
      %dma_start3A_143 = tpu.memref_squeeze %dma_start3A_142 : memref<1x8192xi32, #tpu.memory_space<hbm>> -> memref<8192xi32, #tpu.memory_space<hbm>>
      %dma_start3A_144 = tpu.memref_slice %dma_start3A_143[%mul3A_34] : memref<8192xi32, #tpu.memory_space<hbm>> -> memref<1024xi32, #tpu.memory_space<hbm>>
      tpu.enqueue_dma source(%dma_start3A_144 : memref<1024xi32, #tpu.memory_space<hbm>>) target(%arg5 : memref<1024xi32, #tpu.memory_space<vmem>>) target_semaphore(%run_scoped3A : memref<!tpu.dma_semaphore, #tpu.memory_space<semaphore_mem>>)
      %dma_wait3A_145 = arith.constant 0 : i32
      %dma_wait3A_146 = tpu.memref_slice %arg2[%select_n3A, %dma_wait3A_145] : memref<4x8192xi32, #tpu.memory_space<hbm>> -> memref<1x8192xi32, #tpu.memory_space<hbm>>
      %dma_wait3A_147 = tpu.memref_squeeze %dma_wait3A_146 : memref<1x8192xi32, #tpu.memory_space<hbm>> -> memref<8192xi32, #tpu.memory_space<hbm>>
      %dma_wait3A_148 = tpu.memref_slice %dma_wait3A_147[%mul3A_34] : memref<8192xi32, #tpu.memory_space<hbm>> -> memref<1024xi32, #tpu.memory_space<hbm>>
      %dma_wait3A_149 = arith.constant 0 : i32
      %dma_wait3A_150 = tpu.memref_slice %arg2[%select_n3A, %dma_wait3A_149] : memref<4x8192xi32, #tpu.memory_space<hbm>> -> memref<1x8192xi32, #tpu.memory_space<hbm>>
      %dma_wait3A_151 = tpu.memref_squeeze %dma_wait3A_150 : memref<1x8192xi32, #tpu.memory_space<hbm>> -> memref<8192xi32, #tpu.memory_space<hbm>>
      %dma_wait3A_152 = tpu.memref_slice %dma_wait3A_151[%mul3A_34] : memref<8192xi32, #tpu.memory_space<hbm>> -> memref<1024xi32, #tpu.memory_space<hbm>>
      tpu.wait_dma2 semaphore(%run_scoped3A : memref<!tpu.dma_semaphore, #tpu.memory_space<semaphore_mem>>) src(%dma_wait3A_152 : memref<1024xi32, #tpu.memory_space<hbm>>) dst(%arg5 : memref<1024xi32, #tpu.memory_space<vmem>>)
      tpu.yield
    }) : () -> ()
    %dma_start3A = arith.constant 0 : i32
    %dma_start3A_35 = arith.constant 0 : i32
    %dma_start3A_36 = arith.constant 0 : i32
    %dma_start3A_37 = tpu.memref_slice %arg6[%dma_start3A, %dma_start3A_35, %dma_start3A_36] : memref<2x32x1024xf32, #tpu.memory_space<vmem>> -> memref<1x32x1024xf32, #tpu.memory_space<vmem>>
    %dma_start3A_38 = tpu.memref_squeeze %dma_start3A_37 : memref<1x32x1024xf32, #tpu.memory_space<vmem>> -> memref<32x1024xf32, #tpu.memory_space<vmem>>
    %dma_start3A_39 = arith.constant 0 : i32
    %dma_start3A_40 = tpu.memref_slice %arg5[%dma_start3A_39] : memref<1024xi32, #tpu.memory_space<vmem>> -> memref<32xi32, #tpu.memory_space<vmem>>
    %dma_start3A_41 = arith.constant 0 : i32
    %dma_start3A_42 = arith.constant 0 : i32
    %dma_start3A_43 = tpu.memref_slice %arg3[%dma_start3A_41, %dma_start3A_42] : memref<100000x1024xf32, #tpu.memory_space<hbm>> -> memref<100000x1024xf32, #tpu.memory_space<hbm>>
    tpu.enqueue_indirect_dma source(%dma_start3A_43 : memref<100000x1024xf32, #tpu.memory_space<hbm>>) target(%dma_start3A_38 : memref<32x1024xf32, #tpu.memory_space<vmem>>) offsets(%dma_start3A_40 : memref<32xi32, #tpu.memory_space<vmem>>) semaphore(%arg7 : memref<!tpu.dma_semaphore, #tpu.memory_space<semaphore_mem>>)
    %dma_start3A_44 = arith.constant 1 : i32
    %dma_start3A_45 = arith.constant 0 : i32
    %dma_start3A_46 = arith.constant 0 : i32
    %dma_start3A_47 = tpu.memref_slice %arg6[%dma_start3A_44, %dma_start3A_45, %dma_start3A_46] : memref<2x32x1024xf32, #tpu.memory_space<vmem>> -> memref<1x32x1024xf32, #tpu.memory_space<vmem>>
    %dma_start3A_48 = tpu.memref_squeeze %dma_start3A_47 : memref<1x32x1024xf32, #tpu.memory_space<vmem>> -> memref<32x1024xf32, #tpu.memory_space<vmem>>
    %dma_start3A_49 = arith.constant 32 : i32
    %dma_start3A_50 = tpu.memref_slice %arg5[%dma_start3A_49] : memref<1024xi32, #tpu.memory_space<vmem>> -> memref<32xi32, #tpu.memory_space<vmem>>
    %dma_start3A_51 = arith.constant 0 : i32
    %dma_start3A_52 = arith.constant 0 : i32
    %dma_start3A_53 = tpu.memref_slice %arg3[%dma_start3A_51, %dma_start3A_52] : memref<100000x1024xf32, #tpu.memory_space<hbm>> -> memref<100000x1024xf32, #tpu.memory_space<hbm>>
    tpu.enqueue_indirect_dma source(%dma_start3A_53 : memref<100000x1024xf32, #tpu.memory_space<hbm>>) target(%dma_start3A_48 : memref<32x1024xf32, #tpu.memory_space<vmem>>) offsets(%dma_start3A_50 : memref<32xi32, #tpu.memory_space<vmem>>) semaphore(%arg8 : memref<!tpu.dma_semaphore, #tpu.memory_space<semaphore_mem>>)
    %scan3A = arith.constant 0 : i32
    %scan3A_54 = arith.constant 15 : i32
    %scan3A_55 = arith.addi %scan3A, %scan3A_54 : i32
    %scan3A_56 = arith.constant 1 : i32
    scf.for %scan3A_137 = %scan3A to %scan3A_55 step %scan3A_56  : i32 {
      %mul3A_138 = arith.constant 2 : i32
      %mul3A_139 = arith.muli %scan3A_137, %mul3A_138 : i32
      %add3A_140 = arith.constant 0 : i32
      %add3A_141 = arith.addi %mul3A_139, %add3A_140 : i32
      %mul3A_142 = arith.constant 32 : i32
      %mul3A_143 = arith.muli %add3A_141, %mul3A_142 : i32
      %dma_wait3A_144 = arith.constant 0 : i32
      %dma_wait3A_145 = arith.constant 0 : i32
      %dma_wait3A_146 = arith.constant 0 : i32
      %dma_wait3A_147 = tpu.memref_slice %arg6[%dma_wait3A_144, %dma_wait3A_145, %dma_wait3A_146] : memref<2x32x1024xf32, #tpu.memory_space<vmem>> -> memref<1x32x1024xf32, #tpu.memory_space<vmem>>
      %dma_wait3A_148 = tpu.memref_squeeze %dma_wait3A_147 : memref<1x32x1024xf32, #tpu.memory_space<vmem>> -> memref<32x1024xf32, #tpu.memory_space<vmem>>
      %dma_wait3A_149 = tpu.memref_slice %arg5[%mul3A_143] : memref<1024xi32, #tpu.memory_space<vmem>> -> memref<32xi32, #tpu.memory_space<vmem>>
      %dma_wait3A_150 = arith.constant 0 : i32
      %dma_wait3A_151 = arith.constant 0 : i32
      %dma_wait3A_152 = tpu.memref_slice %arg3[%dma_wait3A_150, %dma_wait3A_151] : memref<100000x1024xf32, #tpu.memory_space<hbm>> -> memref<100000x1024xf32, #tpu.memory_space<hbm>>
      tpu.wait_indirect_dma semaphore(%arg7 : memref<!tpu.dma_semaphore, #tpu.memory_space<semaphore_mem>>) src(%dma_wait3A_152 : memref<100000x1024xf32, #tpu.memory_space<hbm>>) dst(%dma_wait3A_148 : memref<32x1024xf32, #tpu.memory_space<vmem>>)
      %mul3A_153 = arith.constant 32 : i32
      %mul3A_154 = arith.muli %add3A_141, %mul3A_153 : i32
      %add3A_155 = arith.addi %mul3A_2, %mul3A_154 : i32
      %dma_start3A_156 = arith.constant 0 : i32
      %dma_start3A_157 = arith.constant 0 : i32
      %dma_start3A_158 = arith.constant 0 : i32
      %dma_start3A_159 = tpu.memref_slice %arg6[%dma_start3A_156, %dma_start3A_157, %dma_start3A_158] : memref<2x32x1024xf32, #tpu.memory_space<vmem>> -> memref<1x32x1024xf32, #tpu.memory_space<vmem>>
      %dma_start3A_160 = tpu.memref_squeeze %dma_start3A_159 : memref<1x32x1024xf32, #tpu.memory_space<vmem>> -> memref<32x1024xf32, #tpu.memory_space<vmem>>
      %dma_start3A_161 = arith.constant 0 : i32
      %dma_start3A_162 = tpu.memref_slice %arg4[%add3A_155, %dma_start3A_161] : memref<32768x1024xf32, #tpu.memory_space<hbm>> -> memref<32x1024xf32, #tpu.memory_space<hbm>>
      %dma_start3A_163 = arith.constant 0 : i32
      %dma_start3A_164 = tpu.memref_slice %arg4[%add3A_155, %dma_start3A_163] : memref<32768x1024xf32, #tpu.memory_space<hbm>> -> memref<32x1024xf32, #tpu.memory_space<hbm>>
      %dma_start3A_165 = arith.constant 0 : i32
      %dma_start3A_166 = arith.constant 0 : i32
      %dma_start3A_167 = tpu.memref_slice %arg6[%dma_start3A_156, %dma_start3A_165, %dma_start3A_166] : memref<2x32x1024xf32, #tpu.memory_space<vmem>> -> memref<1x32x1024xf32, #tpu.memory_space<vmem>>
      %dma_start3A_168 = tpu.memref_squeeze %dma_start3A_167 : memref<1x32x1024xf32, #tpu.memory_space<vmem>> -> memref<32x1024xf32, #tpu.memory_space<vmem>>
      tpu.enqueue_dma source(%dma_start3A_168 : memref<32x1024xf32, #tpu.memory_space<vmem>>) target(%dma_start3A_164 : memref<32x1024xf32, #tpu.memory_space<hbm>>) target_semaphore(%arg9 : memref<!tpu.dma_semaphore, #tpu.memory_space<semaphore_mem>>)
      %mul3A_169 = arith.constant 32 : i32
      %mul3A_170 = arith.muli %add3A_141, %mul3A_169 : i32
      %add3A_171 = arith.addi %mul3A_2, %mul3A_170 : i32
      %dma_wait3A_172 = arith.constant 0 : i32
      %dma_wait3A_173 = arith.constant 0 : i32
      %dma_wait3A_174 = arith.constant 0 : i32
      %dma_wait3A_175 = tpu.memref_slice %arg6[%dma_wait3A_172, %dma_wait3A_173, %dma_wait3A_174] : memref<2x32x1024xf32, #tpu.memory_space<vmem>> -> memref<1x32x1024xf32, #tpu.memory_space<vmem>>
      %dma_wait3A_176 = tpu.memref_squeeze %dma_wait3A_175 : memref<1x32x1024xf32, #tpu.memory_space<vmem>> -> memref<32x1024xf32, #tpu.memory_space<vmem>>
      %dma_wait3A_177 = arith.constant 0 : i32
      %dma_wait3A_178 = tpu.memref_slice %arg4[%add3A_171, %dma_wait3A_177] : memref<32768x1024xf32, #tpu.memory_space<hbm>> -> memref<32x1024xf32, #tpu.memory_space<hbm>>
      %dma_wait3A_179 = arith.constant 0 : i32
      %dma_wait3A_180 = tpu.memref_slice %arg4[%add3A_171, %dma_wait3A_179] : memref<32768x1024xf32, #tpu.memory_space<hbm>> -> memref<32x1024xf32, #tpu.memory_space<hbm>>
      %dma_wait3A_181 = arith.constant 0 : i32
      %dma_wait3A_182 = arith.constant 0 : i32
      %dma_wait3A_183 = tpu.memref_slice %arg6[%dma_wait3A_172, %dma_wait3A_181, %dma_wait3A_182] : memref<2x32x1024xf32, #tpu.memory_space<vmem>> -> memref<1x32x1024xf32, #tpu.memory_space<vmem>>
      %dma_wait3A_184 = tpu.memref_squeeze %dma_wait3A_183 : memref<1x32x1024xf32, #tpu.memory_space<vmem>> -> memref<32x1024xf32, #tpu.memory_space<vmem>>
      tpu.wait_dma2 semaphore(%arg9 : memref<!tpu.dma_semaphore, #tpu.memory_space<semaphore_mem>>) src(%dma_wait3A_184 : memref<32x1024xf32, #tpu.memory_space<vmem>>) dst(%dma_wait3A_180 : memref<32x1024xf32, #tpu.memory_space<hbm>>)
      %add3A_185 = arith.constant 2 : i32
      %add3A_186 = arith.addi %add3A_141, %add3A_185 : i32
      %mul3A_187 = arith.constant 32 : i32
      %mul3A_188 = arith.muli %add3A_186, %mul3A_187 : i32
      %dma_start3A_189 = arith.constant 0 : i32
      %dma_start3A_190 = arith.constant 0 : i32
      %dma_start3A_191 = arith.constant 0 : i32
      %dma_start3A_192 = tpu.memref_slice %arg6[%dma_start3A_189, %dma_start3A_190, %dma_start3A_191] : memref<2x32x1024xf32, #tpu.memory_space<vmem>> -> memref<1x32x1024xf32, #tpu.memory_space<vmem>>
      %dma_start3A_193 = tpu.memref_squeeze %dma_start3A_192 : memref<1x32x1024xf32, #tpu.memory_space<vmem>> -> memref<32x1024xf32, #tpu.memory_space<vmem>>
      %dma_start3A_194 = tpu.memref_slice %arg5[%mul3A_188] : memref<1024xi32, #tpu.memory_space<vmem>> -> memref<32xi32, #tpu.memory_space<vmem>>
      %dma_start3A_195 = arith.constant 0 : i32
      %dma_start3A_196 = arith.constant 0 : i32
      %dma_start3A_197 = tpu.memref_slice %arg3[%dma_start3A_195, %dma_start3A_196] : memref<100000x1024xf32, #tpu.memory_space<hbm>> -> memref<100000x1024xf32, #tpu.memory_space<hbm>>
      tpu.enqueue_indirect_dma source(%dma_start3A_197 : memref<100000x1024xf32, #tpu.memory_space<hbm>>) target(%dma_start3A_193 : memref<32x1024xf32, #tpu.memory_space<vmem>>) offsets(%dma_start3A_194 : memref<32xi32, #tpu.memory_space<vmem>>) semaphore(%arg7 : memref<!tpu.dma_semaphore, #tpu.memory_space<semaphore_mem>>)
      %add3A_198 = arith.constant 1 : i32
      %add3A_199 = arith.addi %mul3A_139, %add3A_198 : i32
      %mul3A_200 = arith.constant 32 : i32
      %mul3A_201 = arith.muli %add3A_199, %mul3A_200 : i32
      %dma_wait3A_202 = arith.constant 1 : i32
      %dma_wait3A_203 = arith.constant 0 : i32
      %dma_wait3A_204 = arith.constant 0 : i32
      %dma_wait3A_205 = tpu.memref_slice %arg6[%dma_wait3A_202, %dma_wait3A_203, %dma_wait3A_204] : memref<2x32x1024xf32, #tpu.memory_space<vmem>> -> memref<1x32x1024xf32, #tpu.memory_space<vmem>>
      %dma_wait3A_206 = tpu.memref_squeeze %dma_wait3A_205 : memref<1x32x1024xf32, #tpu.memory_space<vmem>> -> memref<32x1024xf32, #tpu.memory_space<vmem>>
      %dma_wait3A_207 = tpu.memref_slice %arg5[%mul3A_201] : memref<1024xi32, #tpu.memory_space<vmem>> -> memref<32xi32, #tpu.memory_space<vmem>>
      %dma_wait3A_208 = arith.constant 0 : i32
      %dma_wait3A_209 = arith.constant 0 : i32
      %dma_wait3A_210 = tpu.memref_slice %arg3[%dma_wait3A_208, %dma_wait3A_209] : memref<100000x1024xf32, #tpu.memory_space<hbm>> -> memref<100000x1024xf32, #tpu.memory_space<hbm>>
      tpu.wait_indirect_dma semaphore(%arg8 : memref<!tpu.dma_semaphore, #tpu.memory_space<semaphore_mem>>) src(%dma_wait3A_210 : memref<100000x1024xf32, #tpu.memory_space<hbm>>) dst(%dma_wait3A_206 : memref<32x1024xf32, #tpu.memory_space<vmem>>)
      %mul3A_211 = arith.constant 32 : i32
      %mul3A_212 = arith.muli %add3A_199, %mul3A_211 : i32
      %add3A_213 = arith.addi %mul3A_2, %mul3A_212 : i32
      %dma_start3A_214 = arith.constant 1 : i32
      %dma_start3A_215 = arith.constant 0 : i32
      %dma_start3A_216 = arith.constant 0 : i32
      %dma_start3A_217 = tpu.memref_slice %arg6[%dma_start3A_214, %dma_start3A_215, %dma_start3A_216] : memref<2x32x1024xf32, #tpu.memory_space<vmem>> -> memref<1x32x1024xf32, #tpu.memory_space<vmem>>
      %dma_start3A_218 = tpu.memref_squeeze %dma_start3A_217 : memref<1x32x1024xf32, #tpu.memory_space<vmem>> -> memref<32x1024xf32, #tpu.memory_space<vmem>>
      %dma_start3A_219 = arith.constant 0 : i32
      %dma_start3A_220 = tpu.memref_slice %arg4[%add3A_213, %dma_start3A_219] : memref<32768x1024xf32, #tpu.memory_space<hbm>> -> memref<32x1024xf32, #tpu.memory_space<hbm>>
      %dma_start3A_221 = arith.constant 0 : i32
      %dma_start3A_222 = tpu.memref_slice %arg4[%add3A_213, %dma_start3A_221] : memref<32768x1024xf32, #tpu.memory_space<hbm>> -> memref<32x1024xf32, #tpu.memory_space<hbm>>
      %dma_start3A_223 = arith.constant 0 : i32
      %dma_start3A_224 = arith.constant 0 : i32
      %dma_start3A_225 = tpu.memref_slice %arg6[%dma_start3A_214, %dma_start3A_223, %dma_start3A_224] : memref<2x32x1024xf32, #tpu.memory_space<vmem>> -> memref<1x32x1024xf32, #tpu.memory_space<vmem>>
      %dma_start3A_226 = tpu.memref_squeeze %dma_start3A_225 : memref<1x32x1024xf32, #tpu.memory_space<vmem>> -> memref<32x1024xf32, #tpu.memory_space<vmem>>
      tpu.enqueue_dma source(%dma_start3A_226 : memref<32x1024xf32, #tpu.memory_space<vmem>>) target(%dma_start3A_222 : memref<32x1024xf32, #tpu.memory_space<hbm>>) target_semaphore(%arg10 : memref<!tpu.dma_semaphore, #tpu.memory_space<semaphore_mem>>)
      %mul3A_227 = arith.constant 32 : i32
      %mul3A_228 = arith.muli %add3A_199, %mul3A_227 : i32
      %add3A_229 = arith.addi %mul3A_2, %mul3A_228 : i32
      %dma_wait3A_230 = arith.constant 1 : i32
      %dma_wait3A_231 = arith.constant 0 : i32
      %dma_wait3A_232 = arith.constant 0 : i32
      %dma_wait3A_233 = tpu.memref_slice %arg6[%dma_wait3A_230, %dma_wait3A_231, %dma_wait3A_232] : memref<2x32x1024xf32, #tpu.memory_space<vmem>> -> memref<1x32x1024xf32, #tpu.memory_space<vmem>>
      %dma_wait3A_234 = tpu.memref_squeeze %dma_wait3A_233 : memref<1x32x1024xf32, #tpu.memory_space<vmem>> -> memref<32x1024xf32, #tpu.memory_space<vmem>>
      %dma_wait3A_235 = arith.constant 0 : i32
      %dma_wait3A_236 = tpu.memref_slice %arg4[%add3A_229, %dma_wait3A_235] : memref<32768x1024xf32, #tpu.memory_space<hbm>> -> memref<32x1024xf32, #tpu.memory_space<hbm>>
      %dma_wait3A_237 = arith.constant 0 : i32
      %dma_wait3A_238 = tpu.memref_slice %arg4[%add3A_229, %dma_wait3A_237] : memref<32768x1024xf32, #tpu.memory_space<hbm>> -> memref<32x1024xf32, #tpu.memory_space<hbm>>
      %dma_wait3A_239 = arith.constant 0 : i32
      %dma_wait3A_240 = arith.constant 0 : i32
      %dma_wait3A_241 = tpu.memref_slice %arg6[%dma_wait3A_230, %dma_wait3A_239, %dma_wait3A_240] : memref<2x32x1024xf32, #tpu.memory_space<vmem>> -> memref<1x32x1024xf32, #tpu.memory_space<vmem>>
      %dma_wait3A_242 = tpu.memref_squeeze %dma_wait3A_241 : memref<1x32x1024xf32, #tpu.memory_space<vmem>> -> memref<32x1024xf32, #tpu.memory_space<vmem>>
      tpu.wait_dma2 semaphore(%arg10 : memref<!tpu.dma_semaphore, #tpu.memory_space<semaphore_mem>>) src(%dma_wait3A_242 : memref<32x1024xf32, #tpu.memory_space<vmem>>) dst(%dma_wait3A_238 : memref<32x1024xf32, #tpu.memory_space<hbm>>)
      %add3A_243 = arith.constant 2 : i32
      %add3A_244 = arith.addi %add3A_199, %add3A_243 : i32
      %mul3A_245 = arith.constant 32 : i32
      %mul3A_246 = arith.muli %add3A_244, %mul3A_245 : i32
      %dma_start3A_247 = arith.constant 1 : i32
      %dma_start3A_248 = arith.constant 0 : i32
      %dma_start3A_249 = arith.constant 0 : i32
      %dma_start3A_250 = tpu.memref_slice %arg6[%dma_start3A_247, %dma_start3A_248, %dma_start3A_249] : memref<2x32x1024xf32, #tpu.memory_space<vmem>> -> memref<1x32x1024xf32, #tpu.memory_space<vmem>>
      %dma_start3A_251 = tpu.memref_squeeze %dma_start3A_250 : memref<1x32x1024xf32, #tpu.memory_space<vmem>> -> memref<32x1024xf32, #tpu.memory_space<vmem>>
      %dma_start3A_252 = tpu.memref_slice %arg5[%mul3A_246] : memref<1024xi32, #tpu.memory_space<vmem>> -> memref<32xi32, #tpu.memory_space<vmem>>
      %dma_start3A_253 = arith.constant 0 : i32
      %dma_start3A_254 = arith.constant 0 : i32
      %dma_start3A_255 = tpu.memref_slice %arg3[%dma_start3A_253, %dma_start3A_254] : memref<100000x1024xf32, #tpu.memory_space<hbm>> -> memref<100000x1024xf32, #tpu.memory_space<hbm>>
      tpu.enqueue_indirect_dma source(%dma_start3A_255 : memref<100000x1024xf32, #tpu.memory_space<hbm>>) target(%dma_start3A_251 : memref<32x1024xf32, #tpu.memory_space<vmem>>) offsets(%dma_start3A_252 : memref<32xi32, #tpu.memory_space<vmem>>) semaphore(%arg8 : memref<!tpu.dma_semaphore, #tpu.memory_space<semaphore_mem>>)
    }
    %scan3A_57 = arith.constant 15 : i32
    %dma_wait3A = arith.constant 0 : i32
    %dma_wait3A_58 = arith.constant 0 : i32
    %dma_wait3A_59 = arith.constant 0 : i32
    %dma_wait3A_60 = tpu.memref_slice %arg6[%dma_wait3A, %dma_wait3A_58, %dma_wait3A_59] : memref<2x32x1024xf32, #tpu.memory_space<vmem>> -> memref<1x32x1024xf32, #tpu.memory_space<vmem>>
    %dma_wait3A_61 = tpu.memref_squeeze %dma_wait3A_60 : memref<1x32x1024xf32, #tpu.memory_space<vmem>> -> memref<32x1024xf32, #tpu.memory_space<vmem>>
    %dma_wait3A_62 = arith.constant 960 : i32
    %dma_wait3A_63 = tpu.memref_slice %arg5[%dma_wait3A_62] : memref<1024xi32, #tpu.memory_space<vmem>> -> memref<32xi32, #tpu.memory_space<vmem>>
    %dma_wait3A_64 = arith.constant 0 : i32
    %dma_wait3A_65 = arith.constant 0 : i32
    %dma_wait3A_66 = tpu.memref_slice %arg3[%dma_wait3A_64, %dma_wait3A_65] : memref<100000x1024xf32, #tpu.memory_space<hbm>> -> memref<100000x1024xf32, #tpu.memory_space<hbm>>
    tpu.wait_indirect_dma semaphore(%arg7 : memref<!tpu.dma_semaphore, #tpu.memory_space<semaphore_mem>>) src(%dma_wait3A_66 : memref<100000x1024xf32, #tpu.memory_space<hbm>>) dst(%dma_wait3A_61 : memref<32x1024xf32, #tpu.memory_space<vmem>>)
    %add3A_67 = arith.constant 960 : i32
    %add3A_68 = arith.addi %mul3A_2, %add3A_67 : i32
    %dma_start3A_69 = arith.constant 0 : i32
    %dma_start3A_70 = arith.constant 0 : i32
    %dma_start3A_71 = arith.constant 0 : i32
    %dma_start3A_72 = tpu.memref_slice %arg6[%dma_start3A_69, %dma_start3A_70, %dma_start3A_71] : memref<2x32x1024xf32, #tpu.memory_space<vmem>> -> memref<1x32x1024xf32, #tpu.memory_space<vmem>>
    %dma_start3A_73 = tpu.memref_squeeze %dma_start3A_72 : memref<1x32x1024xf32, #tpu.memory_space<vmem>> -> memref<32x1024xf32, #tpu.memory_space<vmem>>
    %dma_start3A_74 = arith.constant 0 : i32
    %dma_start3A_75 = tpu.memref_slice %arg4[%add3A_68, %dma_start3A_74] : memref<32768x1024xf32, #tpu.memory_space<hbm>> -> memref<32x1024xf32, #tpu.memory_space<hbm>>
    %dma_start3A_76 = arith.constant 0 : i32
    %dma_start3A_77 = tpu.memref_slice %arg4[%add3A_68, %dma_start3A_76] : memref<32768x1024xf32, #tpu.memory_space<hbm>> -> memref<32x1024xf32, #tpu.memory_space<hbm>>
    %dma_start3A_78 = arith.constant 0 : i32
    %dma_start3A_79 = arith.constant 0 : i32
    %dma_start3A_80 = tpu.memref_slice %arg6[%dma_start3A_69, %dma_start3A_78, %dma_start3A_79] : memref<2x32x1024xf32, #tpu.memory_space<vmem>> -> memref<1x32x1024xf32, #tpu.memory_space<vmem>>
    %dma_start3A_81 = tpu.memref_squeeze %dma_start3A_80 : memref<1x32x1024xf32, #tpu.memory_space<vmem>> -> memref<32x1024xf32, #tpu.memory_space<vmem>>
    tpu.enqueue_dma source(%dma_start3A_81 : memref<32x1024xf32, #tpu.memory_space<vmem>>) target(%dma_start3A_77 : memref<32x1024xf32, #tpu.memory_space<hbm>>) target_semaphore(%arg9 : memref<!tpu.dma_semaphore, #tpu.memory_space<semaphore_mem>>)
    %dma_wait3A_82 = arith.constant 1 : i32
    %dma_wait3A_83 = arith.constant 0 : i32
    %dma_wait3A_84 = arith.constant 0 : i32
    %dma_wait3A_85 = tpu.memref_slice %arg6[%dma_wait3A_82, %dma_wait3A_83, %dma_wait3A_84] : memref<2x32x1024xf32, #tpu.memory_space<vmem>> -> memref<1x32x1024xf32, #tpu.memory_space<vmem>>
    %dma_wait3A_86 = tpu.memref_squeeze %dma_wait3A_85 : memref<1x32x1024xf32, #tpu.memory_space<vmem>> -> memref<32x1024xf32, #tpu.memory_space<vmem>>
    %dma_wait3A_87 = arith.constant 992 : i32
    %dma_wait3A_88 = tpu.memref_slice %arg5[%dma_wait3A_87] : memref<1024xi32, #tpu.memory_space<vmem>> -> memref<32xi32, #tpu.memory_space<vmem>>
    %dma_wait3A_89 = arith.constant 0 : i32
    %dma_wait3A_90 = arith.constant 0 : i32
    %dma_wait3A_91 = tpu.memref_slice %arg3[%dma_wait3A_89, %dma_wait3A_90] : memref<100000x1024xf32, #tpu.memory_space<hbm>> -> memref<100000x1024xf32, #tpu.memory_space<hbm>>
    tpu.wait_indirect_dma semaphore(%arg8 : memref<!tpu.dma_semaphore, #tpu.memory_space<semaphore_mem>>) src(%dma_wait3A_91 : memref<100000x1024xf32, #tpu.memory_space<hbm>>) dst(%dma_wait3A_86 : memref<32x1024xf32, #tpu.memory_space<vmem>>)
    %add3A_92 = arith.constant 992 : i32
    %add3A_93 = arith.addi %mul3A_2, %add3A_92 : i32
    %dma_start3A_94 = arith.constant 1 : i32
    %dma_start3A_95 = arith.constant 0 : i32
    %dma_start3A_96 = arith.constant 0 : i32
    %dma_start3A_97 = tpu.memref_slice %arg6[%dma_start3A_94, %dma_start3A_95, %dma_start3A_96] : memref<2x32x1024xf32, #tpu.memory_space<vmem>> -> memref<1x32x1024xf32, #tpu.memory_space<vmem>>
    %dma_start3A_98 = tpu.memref_squeeze %dma_start3A_97 : memref<1x32x1024xf32, #tpu.memory_space<vmem>> -> memref<32x1024xf32, #tpu.memory_space<vmem>>
    %dma_start3A_99 = arith.constant 0 : i32
    %dma_start3A_100 = tpu.memref_slice %arg4[%add3A_93, %dma_start3A_99] : memref<32768x1024xf32, #tpu.memory_space<hbm>> -> memref<32x1024xf32, #tpu.memory_space<hbm>>
    %dma_start3A_101 = arith.constant 0 : i32
    %dma_start3A_102 = tpu.memref_slice %arg4[%add3A_93, %dma_start3A_101] : memref<32768x1024xf32, #tpu.memory_space<hbm>> -> memref<32x1024xf32, #tpu.memory_space<hbm>>
    %dma_start3A_103 = arith.constant 0 : i32
    %dma_start3A_104 = arith.constant 0 : i32
    %dma_start3A_105 = tpu.memref_slice %arg6[%dma_start3A_94, %dma_start3A_103, %dma_start3A_104] : memref<2x32x1024xf32, #tpu.memory_space<vmem>> -> memref<1x32x1024xf32, #tpu.memory_space<vmem>>
    %dma_start3A_106 = tpu.memref_squeeze %dma_start3A_105 : memref<1x32x1024xf32, #tpu.memory_space<vmem>> -> memref<32x1024xf32, #tpu.memory_space<vmem>>
    tpu.enqueue_dma source(%dma_start3A_106 : memref<32x1024xf32, #tpu.memory_space<vmem>>) target(%dma_start3A_102 : memref<32x1024xf32, #tpu.memory_space<hbm>>) target_semaphore(%arg10 : memref<!tpu.dma_semaphore, #tpu.memory_space<semaphore_mem>>)
    %add3A_107 = arith.constant 960 : i32
    %add3A_108 = arith.addi %mul3A_2, %add3A_107 : i32
    %dma_wait3A_109 = arith.constant 0 : i32
    %dma_wait3A_110 = arith.constant 0 : i32
    %dma_wait3A_111 = arith.constant 0 : i32
    %dma_wait3A_112 = tpu.memref_slice %arg6[%dma_wait3A_109, %dma_wait3A_110, %dma_wait3A_111] : memref<2x32x1024xf32, #tpu.memory_space<vmem>> -> memref<1x32x1024xf32, #tpu.memory_space<vmem>>
    %dma_wait3A_113 = tpu.memref_squeeze %dma_wait3A_112 : memref<1x32x1024xf32, #tpu.memory_space<vmem>> -> memref<32x1024xf32, #tpu.memory_space<vmem>>
    %dma_wait3A_114 = arith.constant 0 : i32
    %dma_wait3A_115 = tpu.memref_slice %arg4[%add3A_108, %dma_wait3A_114] : memref<32768x1024xf32, #tpu.memory_space<hbm>> -> memref<32x1024xf32, #tpu.memory_space<hbm>>
    %dma_wait3A_116 = arith.constant 0 : i32
    %dma_wait3A_117 = tpu.memref_slice %arg4[%add3A_108, %dma_wait3A_116] : memref<32768x1024xf32, #tpu.memory_space<hbm>> -> memref<32x1024xf32, #tpu.memory_space<hbm>>
    %dma_wait3A_118 = arith.constant 0 : i32
    %dma_wait3A_119 = arith.constant 0 : i32
    %dma_wait3A_120 = tpu.memref_slice %arg6[%dma_wait3A_109, %dma_wait3A_118, %dma_wait3A_119] : memref<2x32x1024xf32, #tpu.memory_space<vmem>> -> memref<1x32x1024xf32, #tpu.memory_space<vmem>>
    %dma_wait3A_121 = tpu.memref_squeeze %dma_wait3A_120 : memref<1x32x1024xf32, #tpu.memory_space<vmem>> -> memref<32x1024xf32, #tpu.memory_space<vmem>>
    tpu.wait_dma2 semaphore(%arg9 : memref<!tpu.dma_semaphore, #tpu.memory_space<semaphore_mem>>) src(%dma_wait3A_121 : memref<32x1024xf32, #tpu.memory_space<vmem>>) dst(%dma_wait3A_117 : memref<32x1024xf32, #tpu.memory_space<hbm>>)
    %add3A_122 = arith.constant 992 : i32
    %add3A_123 = arith.addi %mul3A_2, %add3A_122 : i32
    %dma_wait3A_124 = arith.constant 1 : i32
    %dma_wait3A_125 = arith.constant 0 : i32
    %dma_wait3A_126 = arith.constant 0 : i32
    %dma_wait3A_127 = tpu.memref_slice %arg6[%dma_wait3A_124, %dma_wait3A_125, %dma_wait3A_126] : memref<2x32x1024xf32, #tpu.memory_space<vmem>> -> memref<1x32x1024xf32, #tpu.memory_space<vmem>>
    %dma_wait3A_128 = tpu.memref_squeeze %dma_wait3A_127 : memref<1x32x1024xf32, #tpu.memory_space<vmem>> -> memref<32x1024xf32, #tpu.memory_space<vmem>>
    %dma_wait3A_129 = arith.constant 0 : i32
    %dma_wait3A_130 = tpu.memref_slice %arg4[%add3A_123, %dma_wait3A_129] : memref<32768x1024xf32, #tpu.memory_space<hbm>> -> memref<32x1024xf32, #tpu.memory_space<hbm>>
    %dma_wait3A_131 = arith.constant 0 : i32
    %dma_wait3A_132 = tpu.memref_slice %arg4[%add3A_123, %dma_wait3A_131] : memref<32768x1024xf32, #tpu.memory_space<hbm>> -> memref<32x1024xf32, #tpu.memory_space<hbm>>
    %dma_wait3A_133 = arith.constant 0 : i32
    %dma_wait3A_134 = arith.constant 0 : i32
    %dma_wait3A_135 = tpu.memref_slice %arg6[%dma_wait3A_124, %dma_wait3A_133, %dma_wait3A_134] : memref<2x32x1024xf32, #tpu.memory_space<vmem>> -> memref<1x32x1024xf32, #tpu.memory_space<vmem>>
    %dma_wait3A_136 = tpu.memref_squeeze %dma_wait3A_135 : memref<1x32x1024xf32, #tpu.memory_space<vmem>> -> memref<32x1024xf32, #tpu.memory_space<vmem>>
    tpu.wait_dma2 semaphore(%arg10 : memref<!tpu.dma_semaphore, #tpu.memory_space<semaphore_mem>>) src(%dma_wait3A_136 : memref<32x1024xf32, #tpu.memory_space<vmem>>) dst(%dma_wait3A_132 : memref<32x1024xf32, #tpu.memory_space<hbm>>)
    return
  }
}

</mosaic_0001>

<sc_bundles>
// kernel: kernel.3.cloned.1.call-start
scs
__scs_entry_jumppad:
0x0: {  	(pc) =	sbr.rel $0x88, $3  }
0x1: {  	(tag) =	ssettag $0x0;
	lr =	simm.s32 $0x1  }
0x2: {  	[smem:$0x3F9F] =	sst lr;
	_ =	strace $0xD0000000  }
0x3: {  	_ = 	snop  }
0x4: {  	_ = 	snop  }
0x5: {  	_ = 	snop  }
0x6: {  	_ = 	snop  }
0x7: {  	_ = 	snop  }
__scs_overlays_trampoline_lowered:
0x8: {  	[smem:$0x3FAE] =	sst s0  }
0x9: {  	[smem:$0x3FAF] =	sst s1  }
0xa: {  	[smem:$0x3FB0] =	sst s2  }
0xb: {  	[smem:$0x3FB1] =	sst s3  }
0xc: {  	[smem:$0x3FB2] =	sst s4  }
0xd: {  	[smem:$0x3FB3] =	sst s5  }
0xe: {  	[smem:$0x3FB4] =	sst s6  }
0xf: {  	[smem:$0x3FB5] =	sst s7  }
0x10: {  	[smem:$0x3FB6] =	sst s8  }
0x11: {  	[smem:$0x3FB7] =	sst s9;
	s0 =	simm.s32 @!p0 $0x0  }
0x12: {  	s1 =	sld [smem:$0x3F9D];
	s0 =	simm.s32 @p0 $0x1  }
0x13: {  	[smem:$0x3FB8] =	sst s0;
	s0 =	simm.s32 @!p1 $0x0  }
0x14: {  	s2 =	sld [smem:$0x3F9C];
	s0 =	simm.s32 @p1 $0x1  }
0x15: {  	[smem:$0x3FB9] =	sst s0;
	s0 =	simm.s32 @!p2 $0x0  }
0x16: {  	s3 =	sld [smem:$0x3FDB];
	s0 =	simm.s32 @p2 $0x1  }
0x17: {  	s4 =	simm.s32 $0x1BF5;
	[smem:$0x3FBB] =	sst s0  }
0x18: {  	s0 =	sld [smem:$0x3F9E];
	_ =	swait.ge [sflag:s4], $0x0  }
0x19: {  	s7 =	sld [smem:$0x3F9F]  }
0x1a: {  	s8 =	sadd.s32 $0xFFFFE003, lr  }
0x1b: {  	s9 =	sadd.s32 $0xFFFFFEF7, lr;
	s5 =	simm.s32 $0xFFFFFFFF;
	p2 =	slt.u32 s8, $0xFFFFF086  }
0x1c: {  	p1 =	slt.u32 s9, $0xF7A;
	s5 =	simm.s32 @!p2 $0x0  }
0x1d: {  	s5 =	simm.s32 @p1 $0x1;
	p0 =	seq.s32 s7, s2  }
0x1e: {  	s7 =	smul.u32 @!p0 $0xF7A, s2;
	p2 =	seq.s32 @!p0 s5, $0x0  }
0x1f: {  	s9 =	smul.u32 $0xF7A, s1;
	s8 =	simm.s32 @!p0 $0x1BF5;
	p2 =	por !p2, p0  }
0x20: {  	[sflag:s8] =	ssyncset.s32 @!p0 $0xFFFFF086;
	s6 =	sadd.s32 @!p0 s3, s7;
	s7 =	simm.s32 @!p0 $0x108  }
0x21: {  	s3 =	sadd.s32 s3, s9;
	s6 =	sadd.s32 @!p0 $0x88, s6;
	s7 =	simm.s32 @p2 $0x1082  }
0x22: {  	[simem:s7], [sflag:s8] =	dma.local @!p0 [hbm:s6], $0xF7A  }
0x23: {  	s9 =	sor.u32 $0xD0000000, s2;
	s6 =	simm.s32 $0x108;
	_ =	swait.ge @!p0 [sflag:s8], $0x0  }
0x24: {  	s3 =	sadd.s32 $0x88, s3;
	s6 =	simm.s32 @!p1 $0x1082;
	[sflag:s4] =	ssyncset.s32 $0xFFFFF086  }
0x25: {  	[simem:s6], [sflag:s4] =	dma.local [hbm:s3], $0xF7A  }
0x26: {  	[smem:$0x3F9F] =	sst s1;
	(tag) =	ssettag s2;
	_ =	strace s9  }
0x27: {  	s1 =	sld [smem:$0x3FAF]  }
0x28: {  	s2 =	sld [smem:$0x3FB0]  }
0x29: {  	s4 =	sld [smem:$0x3FB2]  }
0x2a: {  	p0 =	seq.s32 s5, $0x0;
	s5 =	sld [smem:$0x3FB3]  }
0x2b: {  	s6 =	sld [smem:$0x3FB4]  }
0x2c: {  	s7 =	sld [smem:$0x3FB5]  }
0x2d: {  	s3 =	simm.s32 $0x108;
	s8 =	sld [smem:$0x3FB6]  }
0x2e: {  	s3 =	simm.s32 @!p0 $0x1082;
	s9 =	sld [smem:$0x3FB7]  }
0x2f: {  	lr =	sadd.s32 s0, s3;
	s0 =	sld [smem:$0x3FAE]  }
0x30: {  	s3 =	sld [smem:$0x3FB1]  }
0x31: {  	[smem:$0x3FBA] =	sst s10  }
0x32: {  	s10 =	sld [smem:$0x3FB8];
	_ =	sdelay $0x3  }
0x33: {  	p0 =	seq.s32 s10, $0x1;
	s10 =	sld [smem:$0x3FBA];
	_ =	sdelay $0x3  }
0x34: {  	[smem:$0x3FBA] =	sst s10  }
0x35: {  	s10 =	sld [smem:$0x3FB9];
	_ =	sdelay $0x3  }
0x36: {  	p1 =	seq.s32 s10, $0x1;
	s10 =	sld [smem:$0x3FBA];
	_ =	sdelay $0x3  }
0x37: {  	[smem:$0x3FBA] =	sst s10  }
0x38: {  	s10 =	sld [smem:$0x3FBB]  }
0x39: {  	_ = 	snop;
	(pc) =	sbr.ind lr, $3  }
0x3a: {  	_ = 	snop  }
0x3b: {  	_ = 	snop  }
0x3c: {  	p2 =	seq.s32 s10, $0x1;
	s10 =	sld [smem:$0x3FBA]  }
0x3d: {  	_ =	shalt  }
0x3e: {  	_ =	shalt  }
0x3f: {  	_ =	shalt  }
0x40: {  	_ =	shalt  }
0x41: {  	_ =	shalt  }
0x42: {  	_ =	shalt  }
0x43: {  	_ =	shalt  }
0x44: {  	_ =	shalt  }
0x45: {  	_ =	shalt  }
0x46: {  	_ =	shalt  }
0x47: {  	_ =	shalt  }
0x48: {  	_ =	shalt  }
0x49: {  	_ =	shalt  }
0x4a: {  	_ =	shalt  }
0x4b: {  	_ =	shalt  }
0x4c: {  	_ =	shalt  }
0x4d: {  	_ =	shalt  }
0x4e: {  	_ =	shalt  }
0x4f: {  	_ =	shalt  }
0x50: {  	_ =	shalt  }
0x51: {  	_ =	shalt  }
0x52: {  	_ =	shalt  }
0x53: {  	_ =	shalt  }
0x54: {  	_ =	shalt  }
0x55: {  	_ =	shalt  }
0x56: {  	_ =	shalt  }
0x57: {  	_ =	shalt  }
0x58: {  	_ =	shalt  }
0x59: {  	_ =	shalt  }
0x5a: {  	_ =	shalt  }
0x5b: {  	_ =	shalt  }
0x5c: {  	_ =	shalt  }
0x5d: {  	_ =	shalt  }
0x5e: {  	_ =	shalt  }
0x5f: {  	_ =	shalt  }
0x60: {  	_ =	shalt  }
0x61: {  	_ =	shalt  }
0x62: {  	_ =	shalt  }
0x63: {  	_ =	shalt  }
0x64: {  	_ =	shalt  }
0x65: {  	_ =	shalt  }
0x66: {  	_ =	shalt  }
0x67: {  	_ =	shalt  }
0x68: {  	_ =	shalt  }
0x69: {  	_ =	shalt  }
0x6a: {  	_ =	shalt  }
0x6b: {  	_ =	shalt  }
0x6c: {  	_ =	shalt  }
0x6d: {  	_ =	shalt  }
0x6e: {  	_ =	shalt  }
0x6f: {  	_ =	shalt  }
0x70: {  	_ =	shalt  }
0x71: {  	_ =	shalt  }
0x72: {  	_ =	shalt  }
0x73: {  	_ =	shalt  }
0x74: {  	_ =	shalt  }
0x75: {  	_ =	shalt  }
0x76: {  	_ =	shalt  }
0x77: {  	_ =	shalt  }
0x78: {  	_ =	shalt  }
0x79: {  	_ =	shalt  }
0x7a: {  	_ =	shalt  }
0x7b: {  	_ =	shalt  }
0x7c: {  	_ =	shalt  }
0x7d: {  	_ =	shalt  }
0x7e: {  	_ =	shalt  }
0x7f: {  	_ =	shalt  }
0x80: {  	_ =	shalt  }
0x81: {  	_ =	shalt  }
0x82: {  	_ =	shalt  }
0x83: {  	_ =	shalt  }
0x84: {  	_ =	shalt  }
0x85: {  	_ =	shalt  }
0x86: {  	_ =	shalt  }
0x87: {  	_ =	shalt  }
.Lfunc_end0:
.L_simem_size_0:
called_computation_lowered:
.L_overlay_start_0:
0x88: {  	s2 =	sld [smem:$0x3FD9]  }
0x89: {  	s3 =	sld [smem:$0x3FFE];
	_ =	sdelay $0x1  }
0x8a: {  	s1 =	srdreg.scid  }
0x8b: {  	s0 =	sand.u32 $0x1, s1  }
0x8c: {  	s18 =	sshll.u32 s0, $0xA;
	s2 =	sadd.s32 s3, s2  }
0x8d: {  	s2 =	sadd.s32 s2, s18  }
0x8e: {  	[smem:$0x3FC6] =	sst s2  }
0x8f: {  	_ = 	snop  }
0x90: {  	s2 =	sld [smem:$0x3FC9]  }
0x91: {  	s19 =	sld [smem:$0x3FC8]  }
0x92: {  	s4 =	sld [smem:$0x3FD0];
	(tm) =	ssettm $0x1  }
0x93: {  	s5 =	sld [smem:$0x3FFB];
	_ =	sdelay $0x3  }
0x94: {  	_ =	strace s5  }
0x95: {  	s5 =	sld [smem:$0x3FFC];
	_ =	sdelay $0x3  }
0x96: {  	_ =	strace s5  }
0x97: {  	s5 =	sld [smem:$0x3FFD];
	_ =	sdelay $0x3  }
0x98: {  	_ =	strace s5  }
0x99: {  	_ =	strace $0x8FFFFFFF  }
0x9a: {  	s20 =	sld [smem:$0x3FDB];
	_ =	sdelay $0x1  }
0x9b: {  	s6 =	simm.s32 $_scs_section_size  }
0x9c: {  	s7 =	simm.s32 $_size__tile_overlayer_lowered;
	s8 =	simm.s32 $_tile_overlayer_lowered  }
0x9d: {  	s23 =	simm.s32 $0x1BFF;
	s22 =	sshll.u32 s8, $0x1;
	s5 =	sadd.s32 s6, s20  }
0x9e: {  	s9 =	simm.s32 $0x0;
	s21 =	sshll.u32 s7, $0x1;
	s7 =	sadd.s32 s22, s5  }
0x9f: {  	[timem:s9], [sflag:s23] =	dma.local [hbm:s7], s21  }
0xa0: {  	_ =	swait.ge [sflag:s23], s21  }
0xa1: {  	s6 =	ssub.s32 $0x0, s21;
	[sflag:s23] =	ssyncset.done $0x0  }
0xa2: {  	[sflag:s23] =	ssyncadd.s32 s6;
	_ =	sdelay $0x1  }
0xa3: {  	s24 =	simm.s32 $0x1B8B  }
0xa4: {  	_ =	swait.ge [sflag:s24], $0x1  }
0xa5: {  	[sflag:s24] =	ssyncset.done $0x0  }
0xa6: {  	s25 =	simm.s32 $0x1B8E;
	[sflag:s24] =	ssyncadd.s32 $0xFFFFFFFF  }
0xa7: {  	s26 =	simm.s32 $execute0_lowered;
	[smem:$0x3FD2] =	sst s25  }
0xa8: {  	s6 =	sshll.u32 s26, $0x1;
	_ =	strace $0x80000046;
	[dreg:$0x1] =	wrdreg $0xFFFFFFFF  }
0xa9: {  	s28 =	simm.s32 $_size_execute0_lowered;
	s5 =	sadd.s32 s5, s6;
	[dreg:$0x0] =	wrdreg $0x0  }
0xaa: {  	s6 =	sshll.u32 s28, $0x1;
	[dreg:$0x2] =	wrdreg s5  }
0xab: {  	[dreg:$0x3] =	wrdreg s6  }
0xac: {  	[dreg:$0x4] =	wrdreg $0xC0  }
0xad: {  	_ =	task [dreg:s9], $0x5FFFF  }
0xae: {  	[dreg:$0x1] =	wrdreg $0xFFFFFFFF  }
0xaf: {  	[dreg:$0x0] =	wrdreg $0x60  }
0xb0: {  	[dreg:$0x2] =	wrdreg s2  }
0xb1: {  	[dreg:$0x3] =	wrdreg s19  }
0xb2: {  	[dreg:$0x4] =	wrdreg s4  }
0xb3: {  	[dreg:$0x5] =	wrdreg $0x9  }
0xb4: {  	_ =	task.clear_ibuf [dreg:s9], $0x6FFFF;
	_ =	strace $0x90000046  }
0xb5: {  	s29 =	simm.s32 $0x9;
	_ =	strace $0x80000048  }
0xb6: {  	_ =	swait.ge [sflag:s29], $0x1  }
0xb7: {  	[sflag:s29] =	ssyncadd.s32 $0xFFFFFFFF  }
0xb8: {  	_ =	strace $0x90000048  }
0xb9: {  	_ =	sfence  }
0xba: {  	s30 =	sld [smem:$0x0];
	_ =	sdelay $0x2  }
0xbb: {  	s31 =	sshll.u32 s1, $0xD;
	s1 =	sshrl.u32 s1, $0x2  }
0xbc: {  	s3 =	sand.u32 $0x4000, s31;
	s1 =	sadd.s32 s1, s30  }
0xbd: {  	s0 =	sor.u32 s3, s0;
	s1 =	sshll.u32 s1, $0x11  }
0xbe: {  	s0 =	sor.u32 s1, s0  }
0xbf: {  	s0 =	sadd.s32 $0x8F2B, s0  }
0xc0: {  	[sflag:s0] =	ssyncadd.remote.s32 $0x1  }
0xc1: {  	_ =	sfence.sel $0xFFFF  }
0xc2: {  	[dreg:$0x0] =	wrdreg $0xFFFFFFFF;
	(pc) =	sbr.abs _section_cstart, $3  }
0xc3: {  	[dreg:$0x1] =	wrdreg $0xFFFFFFFF  }
0xc4: {  	_ =	task.clear_ibuf [dreg:s9], $0x2FFFF;
	_ =	strace $0x9FFFFFFF  }
0xc5: {  	(tm) =	ssettm $0x7FFFFFFF  }
tec
execute0_lowered:
.L_overlay_start_1:
0x0: {  	(tag) =	ssettag $0x1  }
0x1: {  	s0 =	rddreg [dreg:$0x0]  }
0x2: {  	s1 =	rddreg [dreg:$0x1]  }
0x3: {  	s2 =	rddreg [dreg:$0x2];
	s3 =	simm.s32 $0x0;
	s4 =	srdreg.scid  }
0x4: {  	s10 =	stileid.u32;
	s14 =	simm.s32 $0x400;
	s31 =	simm.s32 $0x8400  }
0x5: {  	s18 =	simm.s32 $0x7C00;
	s19 =	simm.s32 $0x8C00;
	s20 =	simm.s32 $0x9400  }
0x6: {  	s29 =	simm.s32 $0x9C00;
	s30 =	simm.s32 $0xA400;
	s11 =	simm.s32 $0xBC00  }
0x7: {  	s12 =	simm.s32 $0xC400;
	s13 =	simm.s32 $0xEC00;
	s15 =	simm.s32 $0xF400  }
0x8: {  	s16 =	simm.s32 $0xFC00;
	[smem:$0x7FF] =	sst s3;
	s4 =	sand.u32 $0x1, s4  }
0x9: {  	s5 =	sshll.u32 s10, $0x1;
	s7 =	sshll.u32 s10, $0x2;
	s23 =	sshll.u32 s10, $0x12  }
0xa: {  	s10 =	simm.s32 $0xE400;
	_ =	strace $0x80000047;
	s6 =	ssub.s32 $0x2, s4  }
0xb: {  	s5 =	sor.u32 s4, s5;
	s7 =	sand.u32 $0x30, s7;
	s24 =	sshll.u32 s4, $0x11  }
0xc: {  	s4 =	simm.s32 $0xCC00;
	s8 =	sshrl.u32 s6, $0x1;
	s9 =	sshll.u32 s5, $0x9  }
0xd: {  	s0 =	sadd.s32 s0, s7;
	s22 =	sshll.u32 s5, $0x11;
	s5 =	sadd.s32 $0x100, s1  }
0xe: {  	s7 =	sadd.s32 $0x300, s1;
	s8 =	ssub.s32 s6, s8;
	s21 =	sand.u32 $0xE00, s9  }
0xf: {  	s6 =	sadd.s32 $0x200, s1;
	s9 =	sadd.s32 s22, s2;
	s0 =	sadd.s32 s21, s0  }
0x10: {  	s22 =	simm.s32 $0x3;
	s25 =	sadd.s32 $0x1E000, s9;
	[dreg:$0x5] =	wrdreg s0  }
0x11: {  	s26 =	sadd.s32 $0x1F000, s9;
	s28 =	smax.u32 s8, $0x1;
	[dreg:$0x6] =	wrdreg s25  }
0x12: {  	s21 =	simm.s32 $0x1;
	s8 =	simm.s32 $0xD400;
	[dreg:$0x7] =	wrdreg s26  }
0x13: {  	v2 =	vlaneseq.u32;
	s9 =	simm.s32 $0xDC00;
	s0 =	sadd.s32 s23, s2;
	[dreg:$0x8] =	wrdreg s28  }
0x14: {  	vm0 =	vmmov $0xffff;
	v1 =	vshrl.u32 v2, $0x3;
	s23 =	simm.s32 $0x2;
	s2 =	simm.s32 $0xB400;
	s0 =	sadd.s32 s24, s0  }
0x15: {  	v0 =	vand.u32 $0x7, v2;
	v2 =	vor.u32 $0x8, v2;
	v1 =	vmul.u32 $0x8, v1;
	s24 =	simm.s32 $0x4;
	[dreg:$0x4] =	wrdreg s0;
	s0 =	simm.s32 $0x0  }
.LBB2_1:
0x16: {  	[dreg:$0x9] =	wrdreg s0  }
0x17: {  	s25 =	rddreg [dreg:$0x5]  }
0x18: {  	s26 =	simm.s32 $0x80;
	s28 =	simm.s32 $0x200;
	s17 =	simm.s32 $0x5  }
0x19: {  	[tilespmem:s3], [sflag:$0x5] =	stream.strided.gather [hbm4b:s25+s26], $0x400, s28, s26, $0x38;
	[tilespmem:$0x10400] =	vst v63  }
0x1a: {  	_ =	swait.ge [sflag:s17], $0x400  }
0x1b: {  	[sflag:s17] =	ssyncset.done $0x0  }
0x1c: {  	[sflag:s17] =	ssyncadd.s32 $0xFFFFFC00  }
0x1d: {  	v3 =	vld [tilespmem:$0x0];
	_ =	sdelay $0x4  }
0x1e: {  	v4 =	vshll.u32 v3, $0x3  }
0x1f: {  	v3 =	vand.u32 $0x7, v3;
	v4 =	vand.u32 $0xFFFFFFC0, v4  }
0x20: {  	v3 =	vor.u32 v3, v4  }
0x21: {  	v4 =	vperm.xlane v3, v0;
	_ =	sdelay $0x1  }
0x22: {  	v4 =	vadd.s32 v1, v4;
	_ =	sdelay $0x4  }
0x23: {  	[tilespmem:s14], [sflag:$0x1] =	stream.indirect_vreg.gather [hbm4b:s1+s3], $0x80, v4, vm0, $0xb8;
	[tilespmem:$0x10400] =	vst v63  }
0x24: {  	s26 =	simm.s32 $0xC00;
	v3 =	vperm.xlane v3, v2  }
0x25: {  	[tilespmem:s26], [sflag:$0x1] =	stream.indirect_vreg.gather [hbm4b:s5+s3], $0x80, v4, vm0, $0xb8;
	[tilespmem:$0x10400] =	vst v63  }
0x26: {  	s28 =	simm.s32 $0x1400;
	v3 =	vadd.s32 v1, v3  }
0x27: {  	[tilespmem:s28], [sflag:$0x1] =	stream.indirect_vreg.gather [hbm4b:s6+s3], $0x80, v4, vm0, $0xb8;
	[tilespmem:$0x10400] =	vst v63  }
0x28: {  	s17 =	simm.s32 $0x1C00  }
0x29: {  	[tilespmem:s17], [sflag:$0x1] =	stream.indirect_vreg.gather [hbm4b:s7+s3], $0x80, v4, vm0, $0xb8;
	[tilespmem:$0x10400] =	vst v63  }
0x2a: {  	s25 =	simm.s32 $0x2400  }
0x2b: {  	[tilespmem:s25], [sflag:$0x1] =	stream.indirect_vreg.gather [hbm4b:s1+s3], $0x80, v3, vm0, $0xb8;
	[tilespmem:$0x10400] =	vst v63  }
0x2c: {  	s26 =	simm.s32 $0x2C00  }
0x2d: {  	[tilespmem:s26], [sflag:$0x1] =	stream.indirect_vreg.gather [hbm4b:s5+s3], $0x80, v3, vm0, $0xb8;
	[tilespmem:$0x10400] =	vst v63  }
0x2e: {  	s28 =	simm.s32 $0x3400  }
0x2f: {  	[tilespmem:s28], [sflag:$0x1] =	stream.indirect_vreg.gather [hbm4b:s6+s3], $0x80, v3, vm0, $0xb8;
	[tilespmem:$0x10400] =	vst v63  }
0x30: {  	s17 =	simm.s32 $0x3C00  }
0x31: {  	[tilespmem:s17], [sflag:$0x1] =	stream.indirect_vreg.gather [hbm4b:s7+s3], $0x80, v3, vm0, $0xb8;
	[tilespmem:$0x10400] =	vst v63  }
0x32: {  	v3 =	vld [tilespmem:$0x10];
	_ =	sdelay $0x4  }
0x33: {  	v61 =	vshll.u32 v3, $0x3  }
0x34: {  	v3 =	vand.u32 $0x7, v3;
	v4 =	vand.u32 $0xFFFFFFC0, v61  }
0x35: {  	v3 =	vor.u32 v3, v4  }
0x36: {  	v4 =	vperm.xlane v3, v0;
	_ =	sdelay $0x1  }
0x37: {  	v4 =	vadd.s32 v1, v4;
	_ =	sdelay $0x3  }
0x38: {  	s25 =	simm.s32 $0x4400  }
0x39: {  	[tilespmem:s25], [sflag:$0x1] =	stream.indirect_vreg.gather [hbm4b:s1+s3], $0x80, v4, vm0, $0xb8;
	[tilespmem:$0x10400] =	vst v63  }
0x3a: {  	s26 =	simm.s32 $0x4C00;
	v3 =	vperm.xlane v3, v2  }
0x3b: {  	[tilespmem:s26], [sflag:$0x1] =	stream.indirect_vreg.gather [hbm4b:s5+s3], $0x80, v4, vm0, $0xb8;
	[tilespmem:$0x10400] =	vst v63  }
0x3c: {  	s28 =	simm.s32 $0x5400;
	v3 =	vadd.s32 v1, v3  }
0x3d: {  	[tilespmem:s28], [sflag:$0x1] =	stream.indirect_vreg.gather [hbm4b:s6+s3], $0x80, v4, vm0, $0xb8;
	[tilespmem:$0x10400] =	vst v63  }
0x3e: {  	s17 =	simm.s32 $0x5C00  }
0x3f: {  	[tilespmem:s17], [sflag:$0x1] =	stream.indirect_vreg.gather [hbm4b:s7+s3], $0x80, v4, vm0, $0xb8;
	[tilespmem:$0x10400] =	vst v63  }
0x40: {  	s25 =	simm.s32 $0x6400  }
0x41: {  	[tilespmem:s25], [sflag:$0x1] =	stream.indirect_vreg.gather [hbm4b:s1+s3], $0x80, v3, vm0, $0xb8;
	[tilespmem:$0x10400] =	vst v63  }
0x42: {  	s26 =	simm.s32 $0x6C00  }
0x43: {  	[tilespmem:s26], [sflag:$0x1] =	stream.indirect_vreg.gather [hbm4b:s5+s3], $0x80, v3, vm0, $0xb8;
	[tilespmem:$0x10400] =	vst v63  }
0x44: {  	s28 =	simm.s32 $0x7400  }
0x45: {  	[tilespmem:s28], [sflag:$0x1] =	stream.indirect_vreg.gather [hbm4b:s6+s3], $0x80, v3, vm0, $0xb8;
	[tilespmem:$0x10400] =	vst v63  }
0x46: {  	_ = 	snop  }
0x47: {  	[tilespmem:s18], [sflag:$0x1] =	stream.indirect_vreg.gather [hbm4b:s7+s3], $0x80, v3, vm0, $0xb8;
	[tilespmem:$0x10400] =	vst v63  }
0x48: {  	v3 =	vld [tilespmem:$0x20];
	_ =	sdelay $0x4  }
0x49: {  	v62 =	vshll.u32 v3, $0x3  }
0x4a: {  	v3 =	vand.u32 $0x7, v3;
	v4 =	vand.u32 $0xFFFFFFC0, v62  }
0x4b: {  	v3 =	vor.u32 v3, v4  }
0x4c: {  	v4 =	vperm.xlane v3, v0;
	_ =	sdelay $0x1  }
0x4d: {  	v4 =	vadd.s32 v1, v4;
	_ =	sdelay $0x4  }
0x4e: {  	[tilespmem:s31], [sflag:$0x2] =	stream.indirect_vreg.gather [hbm4b:s1+s3], $0x80, v4, vm0, $0xb8;
	[tilespmem:$0x10400] =	vst v63  }
0x4f: {  	v3 =	vperm.xlane v3, v2  }
0x50: {  	[tilespmem:s19], [sflag:$0x2] =	stream.indirect_vreg.gather [hbm4b:s5+s3], $0x80, v4, vm0, $0xb8;
	[tilespmem:$0x10400] =	vst v63  }
0x51: {  	v3 =	vadd.s32 v1, v3  }
0x52: {  	[tilespmem:s20], [sflag:$0x2] =	stream.indirect_vreg.gather [hbm4b:s6+s3], $0x80, v4, vm0, $0xb8;
	[tilespmem:$0x10400] =	vst v63  }
0x53: {  	_ = 	snop  }
0x54: {  	[tilespmem:s29], [sflag:$0x2] =	stream.indirect_vreg.gather [hbm4b:s7+s3], $0x80, v4, vm0, $0xb8;
	[tilespmem:$0x10400] =	vst v63  }
0x55: {  	_ = 	snop  }
0x56: {  	[tilespmem:s30], [sflag:$0x2] =	stream.indirect_vreg.gather [hbm4b:s1+s3], $0x80, v3, vm0, $0xb8;
	[tilespmem:$0x10400] =	vst v63  }
0x57: {  	s0 =	simm.s32 $0xAC00  }
0x58: {  	[tilespmem:s0], [sflag:$0x2] =	stream.indirect_vreg.gather [hbm4b:s5+s3], $0x80, v3, vm0, $0xb8;
	[tilespmem:$0x10400] =	vst v63  }
0x59: {  	_ = 	snop  }
0x5a: {  	[tilespmem:s2], [sflag:$0x2] =	stream.indirect_vreg.gather [hbm4b:s6+s3], $0x80, v3, vm0, $0xb8;
	[tilespmem:$0x10400] =	vst v63  }
0x5b: {  	_ = 	snop  }
0x5c: {  	[tilespmem:s11], [sflag:$0x2] =	stream.indirect_vreg.gather [hbm4b:s7+s3], $0x80, v3, vm0, $0xb8;
	[tilespmem:$0x10400] =	vst v63  }
0x5d: {  	v3 =	vld [tilespmem:$0x30];
	_ =	sdelay $0x4  }
0x5e: {  	v63 =	vshll.u32 v3, $0x3  }
0x5f: {  	v3 =	vand.u32 $0x7, v3;
	v4 =	vand.u32 $0xFFFFFFC0, v63  }
0x60: {  	v3 =	vor.u32 v3, v4  }
0x61: {  	v4 =	vperm.xlane v3, v0;
	_ =	sdelay $0x1  }
0x62: {  	v4 =	vadd.s32 v1, v4;
	_ =	sdelay $0x4  }
0x63: {  	[tilespmem:s12], [sflag:$0x2] =	stream.indirect_vreg.gather [hbm4b:s1+s3], $0x80, v4, vm0, $0xb8;
	[tilespmem:$0x10400] =	vst v63  }
0x64: {  	v3 =	vperm.xlane v3, v2  }
0x65: {  	[tilespmem:s4], [sflag:$0x2] =	stream.indirect_vreg.gather [hbm4b:s5+s3], $0x80, v4, vm0, $0xb8;
	[tilespmem:$0x10400] =	vst v63  }
0x66: {  	v3 =	vadd.s32 v1, v3  }
0x67: {  	[tilespmem:s8], [sflag:$0x2] =	stream.indirect_vreg.gather [hbm4b:s6+s3], $0x80, v4, vm0, $0xb8;
	[tilespmem:$0x10400] =	vst v63  }
0x68: {  	_ = 	snop  }
0x69: {  	[tilespmem:s9], [sflag:$0x2] =	stream.indirect_vreg.gather [hbm4b:s7+s3], $0x80, v4, vm0, $0xb8;
	[tilespmem:$0x10400] =	vst v63  }
0x6a: {  	_ = 	snop  }
0x6b: {  	[tilespmem:s10], [sflag:$0x2] =	stream.indirect_vreg.gather [hbm4b:s1+s3], $0x80, v3, vm0, $0xb8;
	[tilespmem:$0x10400] =	vst v63  }
0x6c: {  	_ = 	snop  }
0x6d: {  	[tilespmem:s13], [sflag:$0x2] =	stream.indirect_vreg.gather [hbm4b:s5+s3], $0x80, v3, vm0, $0xb8;
	[tilespmem:$0x10400] =	vst v63  }
0x6e: {  	_ = 	snop  }
0x6f: {  	[tilespmem:s15], [sflag:$0x2] =	stream.indirect_vreg.gather [hbm4b:s6+s3], $0x80, v3, vm0, $0xb8;
	[tilespmem:$0x10400] =	vst v63  }
0x70: {  	s25 =	simm.s32 $0x70;
	s26 =	simm.s32 $0x0  }
0x71: {  	[tilespmem:s16], [sflag:$0x2] =	stream.indirect_vreg.gather [hbm4b:s7+s3], $0x80, v3, vm0, $0xb8;
	[tilespmem:$0x10400] =	vst v63  }
.LBB2_2:
0x72: {  	_ =	swait.ge [sflag:s21], $0x8000  }
0x73: {  	s28 =	rddreg [dreg:$0x4];
	[sflag:s21] =	ssyncset.done $0x0  }
0x74: {  	[sflag:s21] =	ssyncadd.s32 $0xFFFF8000;
	s28 =	sadd.s32 s26, s28  }
0x75: {  	[hbm4b:s28+s3] =	stream.linear.scatter [tilespmem:s14], [sflag:$0x3], $0x8000, $0x38;
	[tilespmem:$0x10400] =	vst v63  }
0x76: {  	_ =	swait.ge [sflag:s22], $0x8000  }
0x77: {  	[sflag:s22] =	ssyncset.done $0x0  }
0x78: {  	[sflag:s22] =	ssyncadd.s32 $0xFFFF8000  }
0x79: {  	v3 =	vld [tilespmem:s25+$0xFFFFFFD0];
	_ =	sdelay $0x4  }
0x7a: {  	v4 =	vshll.u32 v3, $0x3  }
0x7b: {  	v3 =	vand.u32 $0x7, v3;
	v4 =	vand.u32 $0xFFFFFFC0, v4  }
0x7c: {  	v3 =	vor.u32 v3, v4  }
0x7d: {  	v4 =	vperm.xlane v3, v0;
	_ =	sdelay $0x1  }
0x7e: {  	v4 =	vadd.s32 v1, v4;
	_ =	sdelay $0x4  }
0x7f: {  	[tilespmem:s14], [sflag:$0x1] =	stream.indirect_vreg.gather [hbm4b:s1+s3], $0x80, v4, vm0, $0xb8;
	[tilespmem:$0x10400] =	vst v63  }
0x80: {  	s17 =	simm.s32 $0xC00;
	v3 =	vperm.xlane v3, v2  }
0x81: {  	[tilespmem:s17], [sflag:$0x1] =	stream.indirect_vreg.gather [hbm4b:s5+s3], $0x80, v4, vm0, $0xb8;
	[tilespmem:$0x10400] =	vst v63  }
0x82: {  	v3 =	vadd.s32 v1, v3;
	s17 =	simm.s32 $0x1400  }
0x83: {  	[tilespmem:s17], [sflag:$0x1] =	stream.indirect_vreg.gather [hbm4b:s6+s3], $0x80, v4, vm0, $0xb8;
	[tilespmem:$0x10400] =	vst v63  }
0x84: {  	s17 =	simm.s32 $0x1C00  }
0x85: {  	[tilespmem:s17], [sflag:$0x1] =	stream.indirect_vreg.gather [hbm4b:s7+s3], $0x80, v4, vm0, $0xb8;
	[tilespmem:$0x10400] =	vst v63  }
0x86: {  	s17 =	simm.s32 $0x2400  }
0x87: {  	[tilespmem:s17], [sflag:$0x1] =	stream.indirect_vreg.gather [hbm4b:s1+s3], $0x80, v3, vm0, $0xb8;
	[tilespmem:$0x10400] =	vst v63  }
0x88: {  	s17 =	simm.s32 $0x2C00  }
0x89: {  	[tilespmem:s17], [sflag:$0x1] =	stream.indirect_vreg.gather [hbm4b:s5+s3], $0x80, v3, vm0, $0xb8;
	[tilespmem:$0x10400] =	vst v63  }
0x8a: {  	s17 =	simm.s32 $0x3400  }
0x8b: {  	[tilespmem:s17], [sflag:$0x1] =	stream.indirect_vreg.gather [hbm4b:s6+s3], $0x80, v3, vm0, $0xb8;
	[tilespmem:$0x10400] =	vst v63  }
0x8c: {  	s17 =	simm.s32 $0x3C00  }
0x8d: {  	[tilespmem:s17], [sflag:$0x1] =	stream.indirect_vreg.gather [hbm4b:s7+s3], $0x80, v3, vm0, $0xb8;
	[tilespmem:$0x10400] =	vst v63  }
0x8e: {  	v3 =	vld [tilespmem:s25+$0xFFFFFFE0];
	_ =	sdelay $0x4  }
0x8f: {  	v61 =	vshll.u32 v3, $0x3  }
0x90: {  	v3 =	vand.u32 $0x7, v3;
	v4 =	vand.u32 $0xFFFFFFC0, v61  }
0x91: {  	v3 =	vor.u32 v3, v4  }
0x92: {  	v4 =	vperm.xlane v3, v0;
	_ =	sdelay $0x1  }
0x93: {  	v4 =	vadd.s32 v1, v4;
	_ =	sdelay $0x3  }
0x94: {  	s17 =	simm.s32 $0x4400  }
0x95: {  	[tilespmem:s17], [sflag:$0x1] =	stream.indirect_vreg.gather [hbm4b:s1+s3], $0x80, v4, vm0, $0xb8;
	[tilespmem:$0x10400] =	vst v63  }
0x96: {  	v3 =	vperm.xlane v3, v2;
	s17 =	simm.s32 $0x4C00  }
0x97: {  	[tilespmem:s17], [sflag:$0x1] =	stream.indirect_vreg.gather [hbm4b:s5+s3], $0x80, v4, vm0, $0xb8;
	[tilespmem:$0x10400] =	vst v63  }
0x98: {  	v3 =	vadd.s32 v1, v3;
	s17 =	simm.s32 $0x5400  }
0x99: {  	[tilespmem:s17], [sflag:$0x1] =	stream.indirect_vreg.gather [hbm4b:s6+s3], $0x80, v4, vm0, $0xb8;
	[tilespmem:$0x10400] =	vst v63  }
0x9a: {  	s17 =	simm.s32 $0x5C00  }
0x9b: {  	[tilespmem:s17], [sflag:$0x1] =	stream.indirect_vreg.gather [hbm4b:s7+s3], $0x80, v4, vm0, $0xb8;
	[tilespmem:$0x10400] =	vst v63  }
0x9c: {  	s17 =	simm.s32 $0x6400  }
0x9d: {  	[tilespmem:s17], [sflag:$0x1] =	stream.indirect_vreg.gather [hbm4b:s1+s3], $0x80, v3, vm0, $0xb8;
	[tilespmem:$0x10400] =	vst v63  }
0x9e: {  	s17 =	simm.s32 $0x6C00  }
0x9f: {  	[tilespmem:s17], [sflag:$0x1] =	stream.indirect_vreg.gather [hbm4b:s5+s3], $0x80, v3, vm0, $0xb8;
	[tilespmem:$0x10400] =	vst v63  }
0xa0: {  	s17 =	simm.s32 $0x7400  }
0xa1: {  	[tilespmem:s17], [sflag:$0x1] =	stream.indirect_vreg.gather [hbm4b:s6+s3], $0x80, v3, vm0, $0xb8;
	[tilespmem:$0x10400] =	vst v63  }
0xa2: {  	_ = 	snop  }
0xa3: {  	[tilespmem:s18], [sflag:$0x1] =	stream.indirect_vreg.gather [hbm4b:s7+s3], $0x80, v3, vm0, $0xb8;
	[tilespmem:$0x10400] =	vst v63  }
0xa4: {  	_ =	swait.ge [sflag:s23], $0x8000  }
0xa5: {  	[sflag:s23] =	ssyncset.done $0x0  }
0xa6: {  	s28 =	sadd.s32 $0x1000, s28;
	[sflag:s23] =	ssyncadd.s32 $0xFFFF8000  }
0xa7: {  	[hbm4b:s28+s3] =	stream.linear.scatter [tilespmem:s31], [sflag:$0x4], $0x8000, $0x38;
	[tilespmem:$0x10400] =	vst v63  }
0xa8: {  	_ =	swait.ge [sflag:s24], $0x8000  }
0xa9: {  	[sflag:s24] =	ssyncset.done $0x0  }
0xaa: {  	[sflag:s24] =	ssyncadd.s32 $0xFFFF8000  }
0xab: {  	v3 =	vld [tilespmem:s25+$0xFFFFFFF0];
	_ =	sdelay $0x4  }
0xac: {  	v62 =	vshll.u32 v3, $0x3  }
0xad: {  	v3 =	vand.u32 $0x7, v3;
	v4 =	vand.u32 $0xFFFFFFC0, v62  }
0xae: {  	v3 =	vor.u32 v3, v4  }
0xaf: {  	v4 =	vperm.xlane v3, v0;
	_ =	sdelay $0x1  }
0xb0: {  	v4 =	vadd.s32 v1, v4;
	_ =	sdelay $0x4  }
0xb1: {  	[tilespmem:s31], [sflag:$0x2] =	stream.indirect_vreg.gather [hbm4b:s1+s3], $0x80, v4, vm0, $0xb8;
	[tilespmem:$0x10400] =	vst v63  }
0xb2: {  	v3 =	vperm.xlane v3, v2  }
0xb3: {  	[tilespmem:s19], [sflag:$0x2] =	stream.indirect_vreg.gather [hbm4b:s5+s3], $0x80, v4, vm0, $0xb8;
	[tilespmem:$0x10400] =	vst v63  }
0xb4: {  	v3 =	vadd.s32 v1, v3  }
0xb5: {  	[tilespmem:s20], [sflag:$0x2] =	stream.indirect_vreg.gather [hbm4b:s6+s3], $0x80, v4, vm0, $0xb8;
	[tilespmem:$0x10400] =	vst v63  }
0xb6: {  	_ = 	snop  }
0xb7: {  	[tilespmem:s29], [sflag:$0x2] =	stream.indirect_vreg.gather [hbm4b:s7+s3], $0x80, v4, vm0, $0xb8;
	[tilespmem:$0x10400] =	vst v63  }
0xb8: {  	_ = 	snop  }
0xb9: {  	[tilespmem:s30], [sflag:$0x2] =	stream.indirect_vreg.gather [hbm4b:s1+s3], $0x80, v3, vm0, $0xb8;
	[tilespmem:$0x10400] =	vst v63  }
0xba: {  	_ = 	snop  }
0xbb: {  	[tilespmem:s0], [sflag:$0x2] =	stream.indirect_vreg.gather [hbm4b:s5+s3], $0x80, v3, vm0, $0xb8;
	[tilespmem:$0x10400] =	vst v63  }
0xbc: {  	_ = 	snop  }
0xbd: {  	[tilespmem:s2], [sflag:$0x2] =	stream.indirect_vreg.gather [hbm4b:s6+s3], $0x80, v3, vm0, $0xb8;
	[tilespmem:$0x10400] =	vst v63  }
0xbe: {  	_ = 	snop  }
0xbf: {  	[tilespmem:s11], [sflag:$0x2] =	stream.indirect_vreg.gather [hbm4b:s7+s3], $0x80, v3, vm0, $0xb8;
	[tilespmem:$0x10400] =	vst v63  }
0xc0: {  	v3 =	vld [tilespmem:s25+$0x0];
	_ =	sdelay $0x4  }
0xc1: {  	v63 =	vshll.u32 v3, $0x3  }
0xc2: {  	v3 =	vand.u32 $0x7, v3;
	v4 =	vand.u32 $0xFFFFFFC0, v63  }
0xc3: {  	v3 =	vor.u32 v3, v4  }
0xc4: {  	v4 =	vperm.xlane v3, v0;
	_ =	sdelay $0x1  }
0xc5: {  	v4 =	vadd.s32 v1, v4;
	_ =	sdelay $0x4  }
0xc6: {  	[tilespmem:s12], [sflag:$0x2] =	stream.indirect_vreg.gather [hbm4b:s1+s3], $0x80, v4, vm0, $0xb8;
	[tilespmem:$0x10400] =	vst v63  }
0xc7: {  	v3 =	vperm.xlane v3, v2  }
0xc8: {  	[tilespmem:s4], [sflag:$0x2] =	stream.indirect_vreg.gather [hbm4b:s5+s3], $0x80, v4, vm0, $0xb8;
	[tilespmem:$0x10400] =	vst v63  }
0xc9: {  	v3 =	vadd.s32 v1, v3  }
0xca: {  	[tilespmem:s8], [sflag:$0x2] =	stream.indirect_vreg.gather [hbm4b:s6+s3], $0x80, v4, vm0, $0xb8;
	[tilespmem:$0x10400] =	vst v63  }
0xcb: {  	_ = 	snop  }
0xcc: {  	[tilespmem:s9], [sflag:$0x2] =	stream.indirect_vreg.gather [hbm4b:s7+s3], $0x80, v4, vm0, $0xb8;
	[tilespmem:$0x10400] =	vst v63  }
0xcd: {  	_ = 	snop  }
0xce: {  	[tilespmem:s10], [sflag:$0x2] =	stream.indirect_vreg.gather [hbm4b:s1+s3], $0x80, v3, vm0, $0xb8;
	[tilespmem:$0x10400] =	vst v63  }
0xcf: {  	p0 =	sne.s32 s26, $0x1C000  }
0xd0: {  	[tilespmem:s13], [sflag:$0x2] =	stream.indirect_vreg.gather [hbm4b:s5+s3], $0x80, v3, vm0, $0xb8;
	[tilespmem:$0x10400] =	vst v63  }
.Ltmp0:
0xd1: {  	_ = 	snop;
	(pc) =	sbr.rel @p0 .LBB2_2-.Ltmp0, $4  }
0xd2: {  	_ = 	snop  }
0xd3: {  	[tilespmem:s15], [sflag:$0x2] =	stream.indirect_vreg.gather [hbm4b:s6+s3], $0x80, v3, vm0, $0xb8;
	[tilespmem:$0x10400] =	vst v63  }
0xd4: {  	s26 =	sadd.s32 $0x2000, s26;
	s25 =	sadd.s32 $0x40, s25  }
0xd5: {  	[tilespmem:s16], [sflag:$0x2] =	stream.indirect_vreg.gather [hbm4b:s7+s3], $0x80, v3, vm0, $0xb8;
	[tilespmem:$0x10400] =	vst v63  }
0xd6: {  	_ =	swait.ge [sflag:s21], $0x8000  }
0xd7: {  	[sflag:s21] =	ssyncset.done $0x0  }
0xd8: {  	s25 =	rddreg [dreg:$0x6];
	[sflag:s21] =	ssyncadd.s32 $0xFFFF8000  }
0xd9: {  	[hbm4b:s25+s3] =	stream.linear.scatter [tilespmem:s14], [sflag:$0x3], $0x8000, $0x38;
	[tilespmem:$0x10400] =	vst v63  }
0xda: {  	_ =	swait.ge [sflag:s23], $0x8000  }
0xdb: {  	[sflag:s23] =	ssyncset.done $0x0  }
0xdc: {  	s26 =	rddreg [dreg:$0x7];
	[sflag:s23] =	ssyncadd.s32 $0xFFFF8000  }
0xdd: {  	[hbm4b:s26+s3] =	stream.linear.scatter [tilespmem:s31], [sflag:$0x4], $0x8000, $0x38;
	[tilespmem:$0x10400] =	vst v63  }
0xde: {  	_ =	swait.ge [sflag:s22], $0x8000  }
0xdf: {  	[sflag:s22] =	ssyncset.done $0x0  }
0xe0: {  	[sflag:s22] =	ssyncadd.s32 $0xFFFF8000  }
0xe1: {  	_ =	swait.ge [sflag:s24], $0x8000  }
0xe2: {  	s0 =	rddreg [dreg:$0x9]  }
0xe3: {  	s28 =	rddreg [dreg:$0x8];
	s0 =	sadd.s32 $0x1, s0  }
0xe4: {  	p0 =	sne.s32 s0, s28  }
.Ltmp1:
0xe5: {  	_ = 	snop;
	(pc) =	sbr.rel @p0 .LBB2_1-.Ltmp1, $3  }
0xe6: {  	_ =	sdelay $0x1  }
0xe7: {  	[sflag:s24] =	ssyncset.done $0x0  }
0xe8: {  	[sflag:s24] =	ssyncadd.s32 $0xFFFF8000  }
0xe9: {  	_ =	sfence.sel $0x180000  }
0xea: {  	[bflag:$0x0] =	sbarrier.arrive $0xFFFF  }
0xeb: {  	_ =	strace $0x90000047  }
0xec: {  	s0 =	stileid.u32;
	[bflag:$0x2] =	sbarrier.arrive $0xFFFF  }
0xed: {  	p0 =	sne.s32 s0, $0x0;
	s0 =	rddreg [dreg:$0x3]  }
0xee: {  	s0 =	sadd.s32 @!p0 $0x100000, s0  }
0xef: {  	[sflag:s0] =	ssyncadd.tile.s32 @!p0 $0x1;
	_ =	shalt  }
.Lfunc_end2:
_tile_overlayer_lowered:
.L_overlay_start_2:
0xf0: {  	(tag) =	ssettag $0x2  }
0xf1: {  	s0 =	rddreg [dreg:$0x0];
	s2 =	stileid.u32  }
0xf2: {  	s1 =	rddreg [dreg:$0x1];
	p0 =	sne.s32 s2, $0x0  }
0xf3: {  	s3 =	rddreg [dreg:$0x2];
	[bflag:$0x3] =	sbarrier.arrive $0xFFFF;
	s2 =	simm.s32 @!p0 $0x1C05  }
0xf4: {  	[timem:s3], [sflag:s2] =	dma.local @!p0 [hbm:s0], s1  }
0xf5: {  	s0 =	simm.s32 @!p0 $0x5  }
0xf6: {  	_ =	swait.ge @!p0 [sflag:s0], s1  }
0xf7: {  	s1 =	ssub.s32 @!p0 $0x0, s1;
	[sflag:s0] =	ssyncset.done @!p0 $0x0  }
0xf8: {  	[sflag:s0] =	ssyncadd.s32 @!p0 s1  }
0xf9: {  	[bflag:$0x3] =	sbarrier.arrive $0xFFFF  }
0xfa: {  	_ =	shalt  }

</sc_bundles>
